<compile_context>
chip_gen: v7x
topology: tpu7x:2x2x1
jax: 0.10.2.dev20260603
libtpu: 0.0.44.dev20260713+nightly
codegen_flags: <defaults>
</compile_context>

<pallas_src>
import functools

import jax
import jax.numpy as jnp
from jax import lax
from jax.experimental import pallas as pl
from jax.experimental.pallas import tpu as pltpu
from jax.experimental.pallas import tpu_sc as plsc

_B, _C, _H, _W = 4, 96, 512, 512
_BH = 32
_TOTAL = _B * _H * _W
_NF = 1.0 / _C

_NWORK = 32
_LANES = 16
_CHUNK = _TOTAL // _NWORK
_HISTN = _C * _LANES


def _argmax_body(x_ref, idx_ref):
    x = x_ref[0]
    idx_ref[0] = jnp.argmax(x, axis=0).astype(jnp.int32)


def _sc_hist_body(idx_hbm, part_hbm, buf_ref, hist_ref):
    wid = lax.axis_index("c") * 16 + lax.axis_index("s")
    base = wid * _CHUNK

    def _zero(i, _):
        hist_ref[pl.ds(i * _LANES, _LANES)] = jnp.zeros((_LANES,), jnp.int32)
        return 0

    lax.fori_loop(0, _C, _zero, 0)

    pltpu.sync_copy(idx_hbm.at[pl.ds(base, _CHUNK)], buf_ref)

    lane = lax.iota(jnp.int32, _LANES)
    ones = jnp.ones((_LANES,), jnp.int32)

    @plsc.parallel_loop(0, _CHUNK // _LANES, unroll=8)
    def _scat(j):
        v = buf_ref[pl.ds(j * _LANES, _LANES)]
        plsc.addupdate_scatter(hist_ref, [v * _LANES + lane], ones)

    pltpu.sync_copy(hist_ref, part_hbm.at[wid])


def _final_body(p_ref, loss_ref, dist_ref):
    p = jnp.sum(p_ref[...], axis=0, keepdims=True).astype(jnp.float32)
    row = lax.broadcasted_iota(jnp.int32, (_HISTN, _C), 0)
    col = lax.broadcasted_iota(jnp.int32, (_HISTN, _C), 1)
    sel = (lax.shift_right_logical(row, 4) == col).astype(jnp.float32)
    hist = jax.lax.dot_general(
        p, sel, (((1,), (0,)), ((), ())),
        preferred_element_type=jnp.float32,
    )
    dist = hist * (1.0 / _TOTAL)
    dist_ref[...] = dist
    z = (dist - _NF) * (1.0 / (1.0 - _NF))
    loss_ref[0, 0] = jnp.sqrt(jnp.sum(z * z))


def kernel(generated_masks):
    idx = pl.pallas_call(
        _argmax_body,
        grid=(_B, _H // _BH),
        in_specs=[pl.BlockSpec((1, _C, _BH, _W), lambda b, h: (b, 0, h, 0))],
        out_specs=pl.BlockSpec((1, _BH, _W), lambda b, h: (b, h, 0)),
        out_shape=jax.ShapeDtypeStruct((_B, _H, _W), jnp.int32),
    )(generated_masks)

    sc_hist = functools.partial(
        pl.kernel,
        mesh=plsc.VectorSubcoreMesh(core_axis_name="c", subcore_axis_name="s"),
        out_type=jax.ShapeDtypeStruct((_NWORK, _HISTN), jnp.int32),
        scratch_types=[
            pltpu.VMEM((_CHUNK,), jnp.int32),
            pltpu.VMEM((_HISTN,), jnp.int32),
        ],
        compiler_params=pltpu.CompilerParams(needs_layout_passes=False),
    )(_sc_hist_body)
    partials = sc_hist(idx.reshape(_TOTAL))

    loss2d, dist2d = pl.pallas_call(
        _final_body,
        out_specs=[
            pl.BlockSpec(memory_space=pltpu.SMEM),
            pl.BlockSpec((1, _C), lambda: (0, 0)),
        ],
        out_shape=[
            jax.ShapeDtypeStruct((1, 1), jnp.float32),
            jax.ShapeDtypeStruct((1, _C), jnp.float32),
        ],
    )(partials)
    return (loss2d[0, 0], dist2d[0])

# --- scband reference (transcript-rebuilt; emitter-appended) ---
"""Pipeline reference for scband-class-balance-34497177321947 (READ-ONLY COPY).

The authoritative reference and input builder live on the scoring server;
editing this copy changes nothing except your own understanding.
"""

import jax, jax.numpy as jnp
import numpy as np

NUM_CLASSES = 96
BATCH, H, W = 4, 512, 512


def setup_inputs(seed: int = 0) -> dict:
    key = jax.random.key(seed)
    generated_masks = jax.random.normal(key, (BATCH, NUM_CLASSES, H, W), dtype=jnp.float32)
    return {"generated_masks": generated_masks}


def reference(generated_masks):
    num_classes = generated_masks.shape[1]
    # argmax over class channel dim=1 -> [B, H, W]
    mask_classes = jnp.argmax(generated_masks, axis=1)
    # torch.unique + counts scattered into hist == bincount with fixed length
    flat = mask_classes.reshape(-1)
    hist = jnp.bincount(flat, length=num_classes)
    total = mask_classes.shape[0] * mask_classes.shape[1] * mask_classes.shape[2]
    # class_distribution is None initially, so first call: hist / total
    class_distribution = hist / total
    norm_factor = 1.0 / num_classes
    loss = jnp.linalg.norm((class_distribution - norm_factor) / (1.0 - norm_factor))
    return (loss, class_distribution)

if __name__ == "__main__":
    import jax
    _d = setup_inputs()
    print(jax.jit(kernel)(*tuple(_d.values())))

</pallas_src>

<mosaic_0001>
#map = affine_map<(d0, d1) -> (0)>
#map1 = affine_map<(d0, d1) -> (0, 0)>
module attributes {stable_mosaic.version = 14 : i64} {
  func.func @_sc_hist_body(%arg0: i32, %arg1: i32, %arg2: memref<1048576xi32, #tpu.memory_space<hbm>>, %arg3: memref<32x1536xi32, #tpu.memory_space<hbm>>, %arg4: memref<32768xi32, #tpu.memory_space<vmem>>, %arg5: memref<1536xi32, #tpu.memory_space<vmem>>) attributes {dimension_semantics = [#tpu.dimension_semantics<core_parallel>, #tpu.dimension_semantics<subcore_parallel>], iteration_bounds = array<i64: 2, 16>, scalar_prefetch = 0 : i64, scratch_operands = 2 : i64, tpu.core_type = #tpu.core_type<sc_vector_subcore>, window_params = [{transform_indices = #map}, {transform_indices = #map1}]} {
    %mul3A = arith.constant 16 : i32
    %mul3A_0 = arith.muli %arg0, %mul3A : i32
    %add3A = arith.addi %mul3A_0, %arg1 : i32
    %mul3A_1 = arith.constant 32768 : i32
    %mul3A_2 = arith.muli %add3A, %mul3A_1 : i32
    %scan3A = arith.constant 0 : i32
    %scan3A_3 = arith.constant 0 : i32
    %scan3A_4 = arith.constant 96 : i32
    %scan3A_5 = arith.addi %scan3A_3, %scan3A_4 : i32
    %scan3A_6 = arith.constant 1 : i32
    %scan3A_7 = scf.for %scan3A_12 = %scan3A_3 to %scan3A_5 step %scan3A_6 iter_args(%scan3A_13 = %scan3A) -> (i32)  : i32 {
      %broadcast_in_dim3A_14 = arith.constant 0 : i32
      %broadcast_in_dim3A_15 = vector.broadcast %broadcast_in_dim3A_14 : i32 to vector<16xi32>
      %mul3A_16 = arith.constant 16 : i32
      %mul3A_17 = arith.muli %scan3A_12, %mul3A_16 : i32
      %swap3A = arith.index_cast %mul3A_17 : i32 to index
      %swap3A_18 = tpu.vector_load %arg5[%swap3A] {strides = array<i32>} : memref<1536xi32, #tpu.memory_space<vmem>>, vector<16xi32>,
      tpu.vector_store %arg5[%swap3A], %broadcast_in_dim3A_15 {strides = array<i32>} : memref<1536xi32, #tpu.memory_space<vmem>>, vector<16xi32>,
      %scan3A_19 = arith.constant 0 : i32
      scf.yield %scan3A_19 : i32
    }
    %scan3A_8 = arith.constant 96 : i32
    "tpu.region"() ({
      %run_scoped3A = tpu.sem_alloc : memref<!tpu.dma_semaphore, #tpu.memory_space<semaphore_mem>>
      %dma_start3A = tpu.memref_slice %arg2[%mul3A_2] : memref<1048576xi32, #tpu.memory_space<hbm>> -> memref<32768xi32, #tpu.memory_space<hbm>>
      %dma_start3A_12 = tpu.memref_slice %arg2[%mul3A_2] : memref<1048576xi32, #tpu.memory_space<hbm>> -> memref<32768xi32, #tpu.memory_space<hbm>>
      tpu.enqueue_dma source(%dma_start3A_12 : memref<32768xi32, #tpu.memory_space<hbm>>) target(%arg4 : memref<32768xi32, #tpu.memory_space<vmem>>) target_semaphore(%run_scoped3A : memref<!tpu.dma_semaphore, #tpu.memory_space<semaphore_mem>>)
      %dma_wait3A = tpu.memref_slice %arg2[%mul3A_2] : memref<1048576xi32, #tpu.memory_space<hbm>> -> memref<32768xi32, #tpu.memory_space<hbm>>
      %dma_wait3A_13 = tpu.memref_slice %arg2[%mul3A_2] : memref<1048576xi32, #tpu.memory_space<hbm>> -> memref<32768xi32, #tpu.memory_space<hbm>>
      tpu.wait_dma2 semaphore(%run_scoped3A : memref<!tpu.dma_semaphore, #tpu.memory_space<semaphore_mem>>) src(%dma_wait3A_13 : memref<32768xi32, #tpu.memory_space<hbm>>) dst(%arg4 : memref<32768xi32, #tpu.memory_space<vmem>>)
      tpu.yield
    }) : () -> ()
    %iota3A = tpu.iota {dimensions = array<i32: 0>} : vector<16xi32>
    %broadcast_in_dim3A = arith.constant 1 : i32
    %broadcast_in_dim3A_9 = vector.broadcast %broadcast_in_dim3A : i32 to vector<16xi32>
    %parallel_loop3A = arith.constant 0 : i32
    %parallel_loop3A_10 = arith.constant 2048 : i32
    %parallel_loop3A_11 = arith.constant 1 : i32
    scf.for %parallel_loop3A_12 = %parallel_loop3A to %parallel_loop3A_10 step %parallel_loop3A_11  : i32 {
      %parallel_loop3A_13 = arith.constant 16 : i32
      %parallel_loop3A_14 = arith.muli %parallel_loop3A_12, %parallel_loop3A_13 : i32
      %parallel_loop3A_15 = arith.index_cast %parallel_loop3A_14 : i32 to index
      %parallel_loop3A_16 = tpu.vector_load %arg4[%parallel_loop3A_15] {strides = array<i32>} : memref<32768xi32, #tpu.memory_space<vmem>>, vector<16xi32>,
      %parallel_loop3A_17 = arith.constant 16 : i32
      %parallel_loop3A_18 = vector.broadcast %parallel_loop3A_17 : i32 to vector<16xi32>
      %parallel_loop3A_19 = arith.muli %parallel_loop3A_16, %parallel_loop3A_18 : vector<16xi32>
      %parallel_loop3A_20 = arith.addi %parallel_loop3A_19, %iota3A : vector<16xi32>
      tpu.vector_store_idx %arg5[%parallel_loop3A_20], %broadcast_in_dim3A_9 {add = true} : memref<1536xi32, #tpu.memory_space<vmem>>[vector<16xi32>], vector<16xi32>,
    } {sc.loop_unroll_factor = 8 : i64, sc.parallel_access}
    "tpu.region"() ({
      %run_scoped3A = tpu.sem_alloc : memref<!tpu.dma_semaphore, #tpu.memory_space<semaphore_mem>>
      %dma_start3A = arith.constant 0 : i32
      %dma_start3A_12 = tpu.memref_slice %arg3[%add3A, %dma_start3A] : memref<32x1536xi32, #tpu.memory_space<hbm>> -> memref<1x1536xi32, #tpu.memory_space<hbm>>
      %dma_start3A_13 = tpu.memref_squeeze %dma_start3A_12 : memref<1x1536xi32, #tpu.memory_space<hbm>> -> memref<1536xi32, #tpu.memory_space<hbm>>
      %dma_start3A_14 = arith.constant 0 : i32
      %dma_start3A_15 = tpu.memref_slice %arg3[%add3A, %dma_start3A_14] : memref<32x1536xi32, #tpu.memory_space<hbm>> -> memref<1x1536xi32, #tpu.memory_space<hbm>>
      %dma_start3A_16 = tpu.memref_squeeze %dma_start3A_15 : memref<1x1536xi32, #tpu.memory_space<hbm>> -> memref<1536xi32, #tpu.memory_space<hbm>>
      tpu.enqueue_dma source(%arg5 : memref<1536xi32, #tpu.memory_space<vmem>>) target(%dma_start3A_16 : memref<1536xi32, #tpu.memory_space<hbm>>) target_semaphore(%run_scoped3A : memref<!tpu.dma_semaphore, #tpu.memory_space<semaphore_mem>>)
      %dma_wait3A = arith.constant 0 : i32
      %dma_wait3A_17 = tpu.memref_slice %arg3[%add3A, %dma_wait3A] : memref<32x1536xi32, #tpu.memory_space<hbm>> -> memref<1x1536xi32, #tpu.memory_space<hbm>>
      %dma_wait3A_18 = tpu.memref_squeeze %dma_wait3A_17 : memref<1x1536xi32, #tpu.memory_space<hbm>> -> memref<1536xi32, #tpu.memory_space<hbm>>
      %dma_wait3A_19 = arith.constant 0 : i32
      %dma_wait3A_20 = tpu.memref_slice %arg3[%add3A, %dma_wait3A_19] : memref<32x1536xi32, #tpu.memory_space<hbm>> -> memref<1x1536xi32, #tpu.memory_space<hbm>>
      %dma_wait3A_21 = tpu.memref_squeeze %dma_wait3A_20 : memref<1x1536xi32, #tpu.memory_space<hbm>> -> memref<1536xi32, #tpu.memory_space<hbm>>
      tpu.wait_dma2 semaphore(%run_scoped3A : memref<!tpu.dma_semaphore, #tpu.memory_space<semaphore_mem>>) src(%arg5 : memref<1536xi32, #tpu.memory_space<vmem>>) dst(%dma_wait3A_21 : memref<1536xi32, #tpu.memory_space<hbm>>)
      tpu.yield
    }) : () -> ()
    return
  }
}

module attributes {stable_mosaic.version = 14 : i64} {
  func.func @_final_body(%arg0: memref<32x1536xi32, #tpu.memory_space<vmem>>, %arg1: memref<1x1xf32, #tpu.memory_space<smem>>, %arg2: memref<1x96xf32, #tpu.memory_space<vmem>>) attributes {dimension_semantics = [], scalar_prefetch = 0 : i64, scratch_operands = 0 : i64, tpu.core_type = #tpu.core_type<tc>} {
    %get3A = arith.constant 0 : index
    %get3A_0 = arith.constant 0 : index
    %get3A_1 = vector.load %arg0[%get3A, %get3A_0] : memref<32x1536xi32, #tpu.memory_space<vmem>>, vector<32x1536xi32>
    %reduce_sum3A = arith.constant dense<0> : vector<1536xi32>
    %reduce_sum3A_2 = vector.multi_reduction <add>, %get3A_1, %reduce_sum3A [0] : vector<32x1536xi32> to vector<1536xi32>
    %broadcast_in_dim3A = vector.shape_cast %reduce_sum3A_2 : vector<1536xi32> to vector<1x1536xi32>
    %convert_element_type3A = arith.sitofp %broadcast_in_dim3A : vector<1x1536xi32> to vector<1x1536xf32>
    %iota3A = tpu.iota {dimensions = array<i32: 0>} : vector<1536x96xi32>
    %iota3A_3 = tpu.iota {dimensions = array<i32: 1>} : vector<1536x96xi32>
    %shift_right_logical3A = arith.constant 4 : i32
    %shift_right_logical3A_4 = vector.broadcast %shift_right_logical3A : i32 to vector<1536x96xi32>
    %shift_right_logical3A_5 = arith.shrui %iota3A, %shift_right_logical3A_4 : vector<1536x96xi32>
    %eq3A = arith.cmpi eq, %shift_right_logical3A_5, %iota3A_3 : vector<1536x96xi32>
    %convert_element_type3A_6 = arith.extui %eq3A : vector<1536x96xi1> to vector<1536x96xi32>
    %convert_element_type3A_7 = arith.sitofp %convert_element_type3A_6 : vector<1536x96xi32> to vector<1536x96xf32>
    %dot_general3A = arith.constant dense<0.000000e+00> : vector<1x96xf32>
    %dot_general3A_8 = tpu.matmul %convert_element_type3A, %convert_element_type3A_7, %dot_general3A {dimension_numbers = #tpu.dot_dimension_numbers<[1], [0], [0], [1], [0, 0, 1, 1], [], []>, transpose_lhs_hint = false} : vector<1x1536xf32>, vector<1536x96xf32>, vector<1x96xf32> -> vector<1x96xf32>
    %mul3A = arith.constant 9.53674316E-7 : f32
    %mul3A_9 = vector.broadcast %mul3A : f32 to vector<1x96xf32>
    %mul3A_10 = arith.mulf %dot_general3A_8, %mul3A_9 : vector<1x96xf32>
    %swap3A = arith.constant 0 : index
    %swap3A_11 = arith.constant 0 : index
    %swap3A_12 = vector.load %arg2[%swap3A, %swap3A_11] : memref<1x96xf32, #tpu.memory_space<vmem>>, vector<1x96xf32>
    tpu.vector_store %arg2[%swap3A, %swap3A_11], %mul3A_10 {strides = array<i32>} : memref<1x96xf32, #tpu.memory_space<vmem>>, vector<1x96xf32>,
    %sub3A = arith.constant 0.010416667 : f32
    %sub3A_13 = vector.broadcast %sub3A : f32 to vector<1x96xf32>
    %sub3A_14 = arith.subf %mul3A_10, %sub3A_13 : vector<1x96xf32>
    %mul3A_15 = arith.constant 1.0105263 : f32
    %mul3A_16 = vector.broadcast %mul3A_15 : f32 to vector<1x96xf32>
    %mul3A_17 = arith.mulf %sub3A_14, %mul3A_16 : vector<1x96xf32>
    %mul3A_18 = arith.mulf %mul3A_17, %mul3A_17 : vector<1x96xf32>
    %reduce_sum3A_19 = vector.shape_cast %mul3A_18 : vector<1x96xf32> to vector<1x1x96xf32>
    %reduce_sum3A_20 = arith.constant dense<0.000000e+00> : vector<1xf32>
    %reduce_sum3A_21 = vector.multi_reduction <add>, %reduce_sum3A_19, %reduce_sum3A_20 [1, 2] : vector<1x1x96xf32> to vector<1xf32>
    %reduce_sum3A_22 = vector.shape_cast %reduce_sum3A_21 : vector<1xf32> to vector<1x1x1xf32>
    %reduce_sum3A_23 = vector.extract %reduce_sum3A_22[0, 0, 0] : f32 from vector<1x1x1xf32>
    %sqrt3A = math.sqrt %reduce_sum3A_23 : f32
    %swap3A_24 = arith.constant 0 : index
    %swap3A_25 = arith.constant 0 : index
    %swap3A_26 = memref.load %arg1[%swap3A_24, %swap3A_25] : memref<1x1xf32, #tpu.memory_space<smem>>
    memref.store %sqrt3A, %arg1[%swap3A_24, %swap3A_25] : memref<1x1xf32, #tpu.memory_space<smem>>
    return
  }
}

module attributes {stable_mosaic.version = 14 : i64} {
  func.func @_argmax_body(%arg0: i32, %arg1: i32, %arg2: memref<1x96x32x512xf32, #tpu.memory_space<vmem>>, %arg3: memref<1x32x512xi32, #tpu.memory_space<vmem>>) attributes {dimension_semantics = [#tpu.dimension_semantics<arbitrary>, #tpu.dimension_semantics<arbitrary>], iteration_bounds = array<i64: 4, 16>, scalar_prefetch = 0 : i64, scratch_operands = 0 : i64, tpu.core_type = #tpu.core_type<tc>, window_params = [{transform_indices = @transform_0, window_bounds = array<i64: 1, 96, 32, 512>}, {transform_indices = @transform_1, window_bounds = array<i64: 1, 32, 512>}]} {
    %get3A = arith.constant 0 : index
    %get3A_0 = arith.constant 0 : index
    %get3A_1 = arith.constant 0 : index
    %get3A_2 = arith.constant 0 : index
    %get3A_3 = vector.load %arg2[%get3A, %get3A_0, %get3A_1, %get3A_2] : memref<1x96x32x512xf32, #tpu.memory_space<vmem>>, vector<1x96x32x512xf32>
    %get3A_4 = vector.shape_cast %get3A_3 : vector<1x96x32x512xf32> to vector<96x32x512xf32>
    %argmax3A = tpu.reduce_index %get3A_4 {axis = 0 : i32, kind = #tpu.reduction_kind<arg_max>} : vector<96x32x512xf32> -> vector<32x512xi32>
    %swap3A = arith.constant 0 : index
    %swap3A_5 = arith.constant 0 : index
    %swap3A_6 = arith.constant 0 : index
    %swap3A_7 = vector.load %arg3[%swap3A, %swap3A_5, %swap3A_6] : memref<1x32x512xi32, #tpu.memory_space<vmem>>, vector<1x32x512xi32>
    %swap3A_8 = vector.shape_cast %swap3A_7 : vector<1x32x512xi32> to vector<32x512xi32>
    %swap3A_9 = vector.shape_cast %argmax3A : vector<32x512xi32> to vector<1x32x512xi32>
    tpu.vector_store %arg3[%swap3A, %swap3A_5, %swap3A_6], %swap3A_9 {strides = array<i32>} : memref<1x32x512xi32, #tpu.memory_space<vmem>>, vector<1x32x512xi32>,
    return
  }
  func.func @transform_0(%arg0: i32, %arg1: i32) -> (i32, i32, i32, i32) {
    %c0_i32 = arith.constant 0 : i32
    %c0_i32_0 = arith.constant 0 : i32
    %c0_i32_1 = arith.constant 0 : i32
    return %arg0, %c0_i32, %arg1, %c0_i32_0 : i32, i32, i32, i32
  }
  func.func @transform_1(%arg0: i32, %arg1: i32) -> (i32, i32, i32) {
    %c0_i32 = arith.constant 0 : i32
    %c0_i32_0 = arith.constant 0 : i32
    return %arg0, %arg1, %c0_i32 : i32, i32, i32
  }
}

</mosaic_0001>

<sc_bundles>
// kernel: kernel.5.cloned.1.call-start
scs
__scs_entry_jumppad:
0x0: {  	(pc) =	sbr.rel $0x88, $3  }
0x1: {  	(tag) =	ssettag $0x0;
	lr =	simm.s32 $0x1  }
0x2: {  	[smem:$0x3FA0] =	sst lr;
	_ =	strace $0xD0000000  }
0x3: {  	_ = 	snop  }
0x4: {  	_ = 	snop  }
0x5: {  	_ = 	snop  }
0x6: {  	_ = 	snop  }
0x7: {  	_ = 	snop  }
__scs_overlays_trampoline_lowered:
0x8: {  	[smem:$0x3FAF] =	sst s0  }
0x9: {  	[smem:$0x3FB0] =	sst s1  }
0xa: {  	[smem:$0x3FB1] =	sst s2  }
0xb: {  	[smem:$0x3FB2] =	sst s3  }
0xc: {  	[smem:$0x3FB3] =	sst s4  }
0xd: {  	[smem:$0x3FB4] =	sst s5  }
0xe: {  	[smem:$0x3FB5] =	sst s6  }
0xf: {  	[smem:$0x3FB6] =	sst s7  }
0x10: {  	[smem:$0x3FB7] =	sst s8  }
0x11: {  	[smem:$0x3FB8] =	sst s9;
	s0 =	simm.s32 @!p0 $0x0  }
0x12: {  	s1 =	sld [smem:$0x3F9E];
	s0 =	simm.s32 @p0 $0x1  }
0x13: {  	[smem:$0x3FB9] =	sst s0;
	s0 =	simm.s32 @!p1 $0x0  }
0x14: {  	s2 =	sld [smem:$0x3F9D];
	s0 =	simm.s32 @p1 $0x1  }
0x15: {  	[smem:$0x3FBA] =	sst s0;
	s0 =	simm.s32 @!p2 $0x0  }
0x16: {  	s3 =	sld [smem:$0x3FDB];
	s0 =	simm.s32 @p2 $0x1  }
0x17: {  	s4 =	simm.s32 $0x1BF5;
	[smem:$0x3FBC] =	sst s0  }
0x18: {  	s0 =	sld [smem:$0x3F9F];
	_ =	swait.ge [sflag:s4], $0x0  }
0x19: {  	s7 =	sld [smem:$0x3FA0]  }
0x1a: {  	s8 =	sadd.s32 $0xFFFFE003, lr  }
0x1b: {  	s9 =	sadd.s32 $0xFFFFFEF7, lr;
	s5 =	simm.s32 $0xFFFFFFFF;
	p2 =	slt.u32 s8, $0xFFFFF086  }
0x1c: {  	p1 =	slt.u32 s9, $0xF7A;
	s5 =	simm.s32 @!p2 $0x0  }
0x1d: {  	s5 =	simm.s32 @p1 $0x1;
	p0 =	seq.s32 s7, s2  }
0x1e: {  	s7 =	smul.u32 @!p0 $0xF7A, s2;
	p2 =	seq.s32 @!p0 s5, $0x0  }
0x1f: {  	s9 =	smul.u32 $0xF7A, s1;
	s8 =	simm.s32 @!p0 $0x1BF5;
	p2 =	por !p2, p0  }
0x20: {  	[sflag:s8] =	ssyncset.s32 @!p0 $0xFFFFF086;
	s6 =	sadd.s32 @!p0 s3, s7;
	s7 =	simm.s32 @!p0 $0x108  }
0x21: {  	s3 =	sadd.s32 s3, s9;
	s6 =	sadd.s32 @!p0 $0x88, s6;
	s7 =	simm.s32 @p2 $0x1082  }
0x22: {  	[simem:s7], [sflag:s8] =	dma.local @!p0 [hbm:s6], $0xF7A  }
0x23: {  	s9 =	sor.u32 $0xD0000000, s2;
	s6 =	simm.s32 $0x108;
	_ =	swait.ge @!p0 [sflag:s8], $0x0  }
0x24: {  	s3 =	sadd.s32 $0x88, s3;
	s6 =	simm.s32 @!p1 $0x1082;
	[sflag:s4] =	ssyncset.s32 $0xFFFFF086  }
0x25: {  	[simem:s6], [sflag:s4] =	dma.local [hbm:s3], $0xF7A  }
0x26: {  	[smem:$0x3FA0] =	sst s1;
	(tag) =	ssettag s2;
	_ =	strace s9  }
0x27: {  	s1 =	sld [smem:$0x3FB0]  }
0x28: {  	s2 =	sld [smem:$0x3FB1]  }
0x29: {  	s4 =	sld [smem:$0x3FB3]  }
0x2a: {  	p0 =	seq.s32 s5, $0x0;
	s5 =	sld [smem:$0x3FB4]  }
0x2b: {  	s6 =	sld [smem:$0x3FB5]  }
0x2c: {  	s7 =	sld [smem:$0x3FB6]  }
0x2d: {  	s3 =	simm.s32 $0x108;
	s8 =	sld [smem:$0x3FB7]  }
0x2e: {  	s3 =	simm.s32 @!p0 $0x1082;
	s9 =	sld [smem:$0x3FB8]  }
0x2f: {  	lr =	sadd.s32 s0, s3;
	s0 =	sld [smem:$0x3FAF]  }
0x30: {  	s3 =	sld [smem:$0x3FB2]  }
0x31: {  	[smem:$0x3FBB] =	sst s10  }
0x32: {  	s10 =	sld [smem:$0x3FB9];
	_ =	sdelay $0x3  }
0x33: {  	p0 =	seq.s32 s10, $0x1;
	s10 =	sld [smem:$0x3FBB];
	_ =	sdelay $0x3  }
0x34: {  	[smem:$0x3FBB] =	sst s10  }
0x35: {  	s10 =	sld [smem:$0x3FBA];
	_ =	sdelay $0x3  }
0x36: {  	p1 =	seq.s32 s10, $0x1;
	s10 =	sld [smem:$0x3FBB];
	_ =	sdelay $0x3  }
0x37: {  	[smem:$0x3FBB] =	sst s10  }
0x38: {  	s10 =	sld [smem:$0x3FBC]  }
0x39: {  	_ = 	snop;
	(pc) =	sbr.ind lr, $3  }
0x3a: {  	_ = 	snop  }
0x3b: {  	_ = 	snop  }
0x3c: {  	p2 =	seq.s32 s10, $0x1;
	s10 =	sld [smem:$0x3FBB]  }
0x3d: {  	_ =	shalt  }
0x3e: {  	_ =	shalt  }
0x3f: {  	_ =	shalt  }
0x40: {  	_ =	shalt  }
0x41: {  	_ =	shalt  }
0x42: {  	_ =	shalt  }
0x43: {  	_ =	shalt  }
0x44: {  	_ =	shalt  }
0x45: {  	_ =	shalt  }
0x46: {  	_ =	shalt  }
0x47: {  	_ =	shalt  }
0x48: {  	_ =	shalt  }
0x49: {  	_ =	shalt  }
0x4a: {  	_ =	shalt  }
0x4b: {  	_ =	shalt  }
0x4c: {  	_ =	shalt  }
0x4d: {  	_ =	shalt  }
0x4e: {  	_ =	shalt  }
0x4f: {  	_ =	shalt  }
0x50: {  	_ =	shalt  }
0x51: {  	_ =	shalt  }
0x52: {  	_ =	shalt  }
0x53: {  	_ =	shalt  }
0x54: {  	_ =	shalt  }
0x55: {  	_ =	shalt  }
0x56: {  	_ =	shalt  }
0x57: {  	_ =	shalt  }
0x58: {  	_ =	shalt  }
0x59: {  	_ =	shalt  }
0x5a: {  	_ =	shalt  }
0x5b: {  	_ =	shalt  }
0x5c: {  	_ =	shalt  }
0x5d: {  	_ =	shalt  }
0x5e: {  	_ =	shalt  }
0x5f: {  	_ =	shalt  }
0x60: {  	_ =	shalt  }
0x61: {  	_ =	shalt  }
0x62: {  	_ =	shalt  }
0x63: {  	_ =	shalt  }
0x64: {  	_ =	shalt  }
0x65: {  	_ =	shalt  }
0x66: {  	_ =	shalt  }
0x67: {  	_ =	shalt  }
0x68: {  	_ =	shalt  }
0x69: {  	_ =	shalt  }
0x6a: {  	_ =	shalt  }
0x6b: {  	_ =	shalt  }
0x6c: {  	_ =	shalt  }
0x6d: {  	_ =	shalt  }
0x6e: {  	_ =	shalt  }
0x6f: {  	_ =	shalt  }
0x70: {  	_ =	shalt  }
0x71: {  	_ =	shalt  }
0x72: {  	_ =	shalt  }
0x73: {  	_ =	shalt  }
0x74: {  	_ =	shalt  }
0x75: {  	_ =	shalt  }
0x76: {  	_ =	shalt  }
0x77: {  	_ =	shalt  }
0x78: {  	_ =	shalt  }
0x79: {  	_ =	shalt  }
0x7a: {  	_ =	shalt  }
0x7b: {  	_ =	shalt  }
0x7c: {  	_ =	shalt  }
0x7d: {  	_ =	shalt  }
0x7e: {  	_ =	shalt  }
0x7f: {  	_ =	shalt  }
0x80: {  	_ =	shalt  }
0x81: {  	_ =	shalt  }
0x82: {  	_ =	shalt  }
0x83: {  	_ =	shalt  }
0x84: {  	_ =	shalt  }
0x85: {  	_ =	shalt  }
0x86: {  	_ =	shalt  }
0x87: {  	_ =	shalt  }
.Lfunc_end0:
.L_simem_size_0:
called_computation_lowered:
.L_overlay_start_0:
0x88: {  	s2 =	sld [smem:$0x3FD9]  }
0x89: {  	s3 =	sld [smem:$0x3FFE];
	_ =	sdelay $0x1  }
0x8a: {  	s1 =	srdreg.scid  }
0x8b: {  	s0 =	sand.u32 $0x1, s1  }
0x8c: {  	s16 =	sshll.u32 s0, $0xA;
	s2 =	sadd.s32 s3, s2  }
0x8d: {  	s2 =	sadd.s32 s2, s16  }
0x8e: {  	[smem:$0x3FC7] =	sst s2  }
0x8f: {  	_ = 	snop  }
0x90: {  	(tm) =	ssettm $0x1  }
0x91: {  	s17 =	sld [smem:$0x3FFB];
	_ =	sdelay $0x3  }
0x92: {  	_ =	strace s17  }
0x93: {  	s2 =	sld [smem:$0x3FFC];
	_ =	sdelay $0x3  }
0x94: {  	_ =	strace s2  }
0x95: {  	s2 =	sld [smem:$0x3FFD];
	_ =	sdelay $0x3  }
0x96: {  	_ =	strace s2  }
0x97: {  	_ =	strace $0x8FFFFFFF  }
0x98: {  	s18 =	sld [smem:$0x3FDB];
	_ =	sdelay $0x1  }
0x99: {  	s19 =	simm.s32 $_scs_section_size  }
0x9a: {  	s4 =	simm.s32 $_size__tile_overlayer_lowered;
	s5 =	simm.s32 $_tile_overlayer_lowered  }
0x9b: {  	s22 =	simm.s32 $0x1BFF;
	s21 =	sshll.u32 s5, $0x1;
	s2 =	sadd.s32 s19, s18  }
0x9c: {  	s6 =	simm.s32 $0x0;
	s20 =	sshll.u32 s4, $0x1;
	s4 =	sadd.s32 s21, s2  }
0x9d: {  	[timem:s6], [sflag:s22] =	dma.local [hbm:s4], s20  }
0x9e: {  	_ =	swait.ge [sflag:s22], s20  }
0x9f: {  	s3 =	ssub.s32 $0x0, s20;
	[sflag:s22] =	ssyncset.done $0x0  }
0xa0: {  	[sflag:s22] =	ssyncadd.s32 s3;
	_ =	sdelay $0x1  }
0xa1: {  	s23 =	simm.s32 $0x1B8B  }
0xa2: {  	_ =	swait.ge [sflag:s23], $0x1  }
0xa3: {  	[sflag:s23] =	ssyncset.done $0x0  }
0xa4: {  	s25 =	simm.s32 $0x1B8E;
	s24 =	sld [smem:$0x3FFE];
	[sflag:s23] =	ssyncadd.s32 $0xFFFFFFFF  }
0xa5: {  	s26 =	simm.s32 $execute0_lowered;
	[smem:$0x3FD2] =	sst s25  }
0xa6: {  	s4 =	sshll.u32 s26, $0x1;
	_ =	strace $0x80000046;
	[dreg:$0x1] =	wrdreg $0xFFFFFFFF  }
0xa7: {  	s28 =	simm.s32 $_size_execute0_lowered;
	s2 =	sadd.s32 s2, s4;
	[dreg:$0x0] =	wrdreg $0x0  }
0xa8: {  	s4 =	sshll.u32 s28, $0x1;
	[dreg:$0x2] =	wrdreg s2  }
0xa9: {  	[dreg:$0x3] =	wrdreg s4  }
0xaa: {  	[dreg:$0x4] =	wrdreg $0xC0  }
0xab: {  	_ =	task [dreg:s6], $0x5FFFF  }
0xac: {  	[dreg:$0x1] =	wrdreg $0xFFFFFFFF  }
0xad: {  	[dreg:$0x0] =	wrdreg $0x60  }
0xae: {  	[dreg:$0x2] =	wrdreg s24  }
0xaf: {  	[dreg:$0x3] =	wrdreg $0x9  }
0xb0: {  	_ =	task.clear_ibuf [dreg:s6], $0x4FFFF;
	_ =	strace $0x90000046  }
0xb1: {  	s29 =	simm.s32 $0x9;
	_ =	strace $0x80000048  }
0xb2: {  	_ =	swait.ge [sflag:s29], $0x1  }
0xb3: {  	[sflag:s29] =	ssyncadd.s32 $0xFFFFFFFF  }
0xb4: {  	_ =	strace $0x90000048  }
0xb5: {  	_ =	sfence  }
0xb6: {  	s30 =	sld [smem:$0x0];
	_ =	sdelay $0x2  }
0xb7: {  	s31 =	sshll.u32 s1, $0xD;
	s1 =	sshrl.u32 s1, $0x2  }
0xb8: {  	s3 =	sand.u32 $0x4000, s31;
	s1 =	sadd.s32 s1, s30  }
0xb9: {  	s0 =	sor.u32 s3, s0;
	s1 =	sshll.u32 s1, $0x11  }
0xba: {  	s0 =	sor.u32 s1, s0  }
0xbb: {  	s0 =	sadd.s32 $0x8F2B, s0  }
0xbc: {  	[sflag:s0] =	ssyncadd.remote.s32 $0x1  }
0xbd: {  	_ =	sfence.sel $0xFFFF  }
0xbe: {  	[dreg:$0x0] =	wrdreg $0xFFFFFFFF;
	(pc) =	sbr.abs _section_cstart, $3  }
0xbf: {  	[dreg:$0x1] =	wrdreg $0xFFFFFFFF  }
0xc0: {  	_ =	task.clear_ibuf [dreg:s6], $0x2FFFF;
	_ =	strace $0x9FFFFFFF  }
0xc1: {  	(tm) =	ssettm $0x7FFFFFFF  }
tec
execute0_lowered:
.L_overlay_start_1:
0x0: {  	(tag) =	ssettag $0x1  }
0x1: {  	s0 =	srdreg.scid  }
0x2: {  	s4 =	rddreg [dreg:$0x0];
	s3 =	sand.u32 $0x1, s0  }
0x3: {  	s2 =	simm.s32 $0x0;
	s0 =	stileid.u32;
	s1 =	sshll.u32 s3, $0x4  }
0x4: {  	s8 =	simm.s32 $0x80;
	s9 =	simm.s32 $0x400;
	s5 =	sor.u32 s0, s1  }
0x5: {  	s10 =	simm.s32 $0x0;
	[smem:$0x7FF] =	sst s2;
	s6 =	sshrl.u32 s5, $0x3  }
0x6: {  	s7 =	sshll.u32 s0, $0x7;
	s3 =	ssub.s32 $0x2, s3;
	s6 =	smul.u32 $0x3000, s6  }
0x7: {  	s1 =	rddreg [dreg:$0x1];
	s7 =	sand.u32 $0x380, s7;
	_ =	strace $0x80000047  }
0x8: {  	s31 =	sshrl.u32 s3, $0x1;
	s5 =	sshll.u32 s5, $0xC;
	s6 =	sor.u32 s7, s6  }
0x9: {  	s5 =	sadd.s32 s5, s4;
	s7 =	simm.s32 $0x8000;
	s6 =	sshrl.u32 s6, $0x3  }
0xa: {  	s4 =	sadd.s32 s6, s4;
	s6 =	ssub.s32 s3, s31;
	s3 =	sadd.s32 $0x800, s5  }
0xb: {  	v0 =	vimm.s32 $0x0;
	v1 =	vlaneseq.u32;
	v2 =	vimm.s32 $0x1;
	s4 =	sadd.s32 $0x20800, s4;
	s5 =	smax.u32 s6, $0x1;
	s6 =	simm.s32 $0x1  }
.LBB2_1:
0xc: {  	s11 =	simm.s32 $0x40;
	s12 =	simm.s32 $0x0  }
.LBB2_2:
0xd: {  	p0 =	sne.s32 s11, $0x17C0;
	[tilespmem:s12+$0x8000] =	vst v0;
	s12 =	smov.u32 s11;
	s11 =	sadd.s32 $0x40, s11  }
.Ltmp0:
0xe: {  	(pc) =	sbr.rel @p0 .LBB2_2-.Ltmp0, $2  }
0xf: {  	_ =	sdelay $0x2  }
0x10: {  	s12 =	sshra.s32 s12, $0x2  }
0x11: {  	[tilespmem:s12+$0x8000] =	vst v0  }
0x12: {  	[tilespmem:s2], [sflag:$0x1] =	stream.linear.gather [hbm4b:s3+s2], $0x8000, $0x38;
	[tilespmem:$0x8600] =	vst v63  }
0x13: {  	_ =	swait.ge [sflag:s6], $0x8000  }
0x14: {  	[sflag:s6] =	ssyncset.done $0x0  }
0x15: {  	s11 =	simm.s32 $0x40;
	[sflag:s6] =	ssyncadd.s32 $0xFFFF8000  }
0x16: {  	v3 =	vld [tilespmem:s11+$0x30]  }
0x17: {  	v4 =	vld [tilespmem:s11+$0xFFFFFFD0]  }
0x18: {  	v5 =	vld [tilespmem:s11+$0xFFFFFFE0]  }
0x19: {  	v6 =	vld [tilespmem:s11+$0xFFFFFFF0]  }
0x1a: {  	v7 =	vld [tilespmem:s11+$0x0]  }
0x1b: {  	v3 =	vshll.u32 v3, $0x4  }
0x1c: {  	v4 =	vshll.u32 v4, $0x4;
	v3 =	vor.u32 v1, v3  }
0x1d: {  	v5 =	vshll.u32 v5, $0x4;
	v4 =	vor.u32 v1, v4  }
0x1e: {  	v8 =	vld [tilespmem:s11+$0x10];
	v6 =	vshll.u32 v6, $0x4;
	v5 =	vor.u32 v1, v5  }
0x1f: {  	v9 =	vld [tilespmem:s11+$0x20];
	v7 =	vshll.u32 v7, $0x4;
	v6 =	vor.u32 v1, v6  }
0x20: {  	v10 =	vld [tilespmem:s11+$0xFFFFFFC0];
	v7 =	vor.u32 v1, v7  }
0x21: {  	[tilespmem:v3+s7+$0x0] =	vst.idx.add.s32.msk $0xffff, v2  }
0x22: {  	[tilespmem:v4+s7+$0x0] =	vst.idx.add.s32.msk $0xffff, v2  }
0x23: {  	[tilespmem:v5+s7+$0x0] =	vst.idx.add.s32.msk $0xffff, v2  }
0x24: {  	[tilespmem:v6+s7+$0x0] =	vst.idx.add.s32.msk $0xffff, v2  }
0x25: {  	v3 =	vshll.u32 v8, $0x4;
	v4 =	vshll.u32 v9, $0x4;
	v5 =	vshll.u32 v10, $0x4;
	[tilespmem:v7+s7+$0x0] =	vst.idx.add.s32.msk $0xffff, v2  }
0x26: {  	s12 =	simm.s32 $0xC0;
	s11 =	simm.s32 $0x0;
	v3 =	vor.u32 v1, v3;
	v4 =	vor.u32 v1, v4;
	v5 =	vor.u32 v1, v5  }
.LBB2_4:
0x27: {  	v6 =	vld [tilespmem:s12+$0x30];
	s11 =	sadd.s32 $0x8, s11  }
0x28: {  	v7 =	vld [tilespmem:s12+$0xFFFFFFD0];
	p0 =	slt.u32 s11, $0x7F8  }
0x29: {  	v8 =	vld [tilespmem:s12+$0xFFFFFFE0]  }
0x2a: {  	v9 =	vld [tilespmem:s12+$0xFFFFFFF0]  }
0x2b: {  	v10 =	vld [tilespmem:s12+$0x0]  }
0x2c: {  	v11 =	vld [tilespmem:s12+$0x10];
	v6 =	vshll.u32 v6, $0x4  }
0x2d: {  	v7 =	vshll.u32 v7, $0x4;
	v12 =	vld [tilespmem:s12+$0x20];
	v6 =	vor.u32 v1, v6  }
0x2e: {  	v13 =	vld [tilespmem:s12+$0xFFFFFFC0];
	v7 =	vor.u32 v1, v7;
	v8 =	vshll.u32 v8, $0x4  }
0x2f: {  	v8 =	vor.u32 v1, v8;
	v9 =	vshll.u32 v9, $0x4;
	[tilespmem:v5+s7+$0x0] =	vst.idx.add.s32.msk $0xffff, v2  }
0x30: {  	v9 =	vor.u32 v1, v9;
	v5 =	vshll.u32 v10, $0x4;
	[tilespmem:v3+s7+$0x0] =	vst.idx.add.s32.msk $0xffff, v2  }
0x31: {  	v10 =	vor.u32 v1, v5;
	v3 =	vshll.u32 v11, $0x4;
	[tilespmem:v4+s7+$0x0] =	vst.idx.add.s32.msk $0xffff, v2  }
.Ltmp1:
0x32: {  	v3 =	vor.u32 v1, v3;
	v4 =	vshll.u32 v12, $0x4;
	[tilespmem:v6+s7+$0x0] =	vst.idx.add.s32.msk $0xffff, v2;
	(pc) =	sbr.rel @p0 .LBB2_4-.Ltmp1, $4  }
0x33: {  	v5 =	vshll.u32 v13, $0x4;
	[tilespmem:v7+s7+$0x0] =	vst.idx.add.s32.msk $0xffff, v2;
	v4 =	vor.u32 v1, v4  }
0x34: {  	v5 =	vor.u32 v1, v5;
	[tilespmem:v8+s7+$0x0] =	vst.idx.add.s32.msk $0xffff, v2  }
0x35: {  	[tilespmem:v9+s7+$0x0] =	vst.idx.add.s32.msk $0xffff, v2  }
0x36: {  	s12 =	sadd.s32 $0x80, s12;
	[tilespmem:v10+s7+$0x0] =	vst.idx.add.s32.msk $0xffff, v2  }
0x37: {  	_ =	sdelay $0x3  }
0x38: {  	[tilespmem:v5+s7+$0x0] =	vst.idx.add.s32.msk $0xffff, v2;
	s10 =	sadd.s32 $0x1, s10  }
0x39: {  	[tilespmem:v3+s7+$0x0] =	vst.idx.add.s32.msk $0xffff, v2;
	p0 =	sne.s32 s10, s5  }
.Ltmp2:
0x3a: {  	[tilespmem:v4+s7+$0x0] =	vst.idx.add.s32.msk $0xffff, v2;
	(pc) =	sbr.rel @p0 .LBB2_1-.Ltmp2, $4  }
0x3b: {  	[hbm4b:s4+s8] =	stream.strided.scatter [tilespmem:s7], [sflag:$0x1], $0x600, s9, s8, $0x38;
	[tilespmem:$0x8600] =	vst v63  }
0x3c: {  	_ =	swait.ge [sflag:s6], $0x600  }
0x3d: {  	[sflag:s6] =	ssyncset.done $0x0  }
0x3e: {  	[sflag:s6] =	ssyncadd.s32 $0xFFFFFA00  }
0x3f: {  	_ =	sfence.sel $0x180000  }
0x40: {  	[bflag:$0x0] =	sbarrier.arrive $0xFFFF  }
0x41: {  	p0 =	sne.s32 s0, $0x0;
	_ =	strace $0x90000047  }
0x42: {  	s0 =	sadd.s32 @!p0 $0x100000, s1;
	[bflag:$0x2] =	sbarrier.arrive $0xFFFF  }
0x43: {  	[sflag:s0] =	ssyncadd.tile.s32 @!p0 $0x1;
	_ =	shalt  }
.Lfunc_end2:
_tile_overlayer_lowered:
.L_overlay_start_2:
0x44: {  	(tag) =	ssettag $0x2  }
0x45: {  	s0 =	rddreg [dreg:$0x0];
	s2 =	stileid.u32  }
0x46: {  	s1 =	rddreg [dreg:$0x1];
	p0 =	sne.s32 s2, $0x0  }
0x47: {  	s3 =	rddreg [dreg:$0x2];
	[bflag:$0x3] =	sbarrier.arrive $0xFFFF;
	s2 =	simm.s32 @!p0 $0x1C01  }
0x48: {  	[timem:s3], [sflag:s2] =	dma.local @!p0 [hbm:s0], s1  }
0x49: {  	s0 =	simm.s32 @!p0 $0x1  }
0x4a: {  	_ =	swait.ge @!p0 [sflag:s0], s1  }
0x4b: {  	s1 =	ssub.s32 @!p0 $0x0, s1;
	[sflag:s0] =	ssyncset.done @!p0 $0x0  }
0x4c: {  	[sflag:s0] =	ssyncadd.s32 @!p0 s1  }
0x4d: {  	[bflag:$0x3] =	sbarrier.arrive $0xFFFF  }
0x4e: {  	_ =	shalt  }

</sc_bundles>
